<compile_context>
chip_gen: v7x
topology: tpu7x:2x2x1
jax: 0.10.2.dev20260603
libtpu: 0.0.44.dev20260713+nightly
codegen_flags: <defaults>
</compile_context>

<pallas_src>
import functools

import jax
import jax.numpy as jnp
from jax import lax
from jax.experimental import pallas as pl
from jax.experimental.pallas import tpu as pltpu
from jax.experimental.pallas import tpu_sc as plsc

N_ROWS = 4096 * 200
D = 128
C = 128
NBUF = 6
PRE = 5
NW = 32
G_PER_W = N_ROWS // (C * NW)
NC = 2


def _make_gather():
    mesh = plsc.VectorSubcoreMesh(core_axis_name="c", subcore_axis_name="s")

    @functools.partial(
        pl.kernel,
        mesh=mesh,
        out_type=jax.ShapeDtypeStruct((N_ROWS, D), jnp.float32),
        scratch_types=[
            pltpu.VMEM((G_PER_W, C), jnp.int32),
            pltpu.VMEM((NBUF, C, D), jnp.float32),
            pltpu.SemaphoreType.DMA((NBUF,)),
            pltpu.SemaphoreType.DMA((NBUF,)),
        ],
    )
    def gather_kernel(idx_hbm, table_hbm, out_hbm, idx_v, bufs, gsem, ssem):
        wid = lax.axis_index("s") * NC + lax.axis_index("c")
        cbase = wid * G_PER_W

        pltpu.sync_copy(idx_hbm.at[pl.ds(cbase, G_PER_W)], idx_v)

        def gather_fire(j, b):
            pltpu.async_copy(table_hbm.at[idx_v.at[j]], bufs.at[b], gsem.at[b])

        def gather_wait(j, b):
            pltpu.make_async_copy(
                table_hbm.at[idx_v.at[j]], bufs.at[b], gsem.at[b]).wait()

        def store_fire(j, b):
            pltpu.async_copy(
                bufs.at[b], out_hbm.at[pl.ds((cbase + j) * C, C)], ssem.at[b])

        def store_wait(j, b):
            pltpu.make_async_copy(
                bufs.at[b], out_hbm.at[pl.ds((cbase + j) * C, C)],
                ssem.at[b]).wait()

        for j in range(PRE):
            gather_fire(j, j)

        def step(j, carry):
            b = lax.rem(j, NBUF)
            gather_wait(j, b)
            store_fire(j, b)
            f = j + PRE
            fb = lax.rem(f, NBUF)

            @pl.when(f < G_PER_W)
            def _():
                @pl.when(j >= NBUF - PRE)
                def _():
                    store_wait(f - NBUF, fb)

                gather_fire(f, fb)

            return carry

        lax.fori_loop(0, G_PER_W, step, 0)

        for j in range(G_PER_W - NBUF, G_PER_W):
            store_wait(j, j % NBUF)

    return gather_kernel


_gather = _make_gather()


def kernel(input, weight):
    idx = input.reshape(N_ROWS // C, C).astype(jnp.int32)
    out = _gather(idx, weight)
    return out.reshape(input.shape + (weight.shape[1],))

# --- scband reference (transcript-rebuilt; emitter-appended) ---
"""Pipeline reference for scband-embedding-74002286510354 (READ-ONLY COPY).

The authoritative reference and input builder live on the scoring server;
editing this copy changes nothing except your own understanding.
"""

import jax, jax.numpy as jnp
import numpy as np

N_TYPE = 100000
N_DIM = 128


def setup_inputs(seed: int = 0) -> dict:
    key = jax.random.key(seed)
    k_idx, k_w = jax.random.split(key)
    input_ids = jax.random.randint(k_idx, (4096, 200), 0, N_TYPE, dtype=jnp.int64 if jax.config.jax_enable_x64 else jnp.int32)
    # nn.init.normal_(weight, std=0.5)
    weight = jax.random.normal(k_w, (N_TYPE, N_DIM), dtype=jnp.float32) * 0.5
    return {"input": input_ids, "weight": weight}


def reference(input, weight):
    # Faithful translation of nn.Embedding forward: row gather from the table.
    return jnp.take(weight, input, axis=0)

if __name__ == "__main__":
    import jax
    _d = setup_inputs()
    print(jax.jit(kernel)(*tuple(_d.values())))

</pallas_src>

<mosaic_0001>
#map = affine_map<(d0, d1) -> (0, 0)>
module attributes {stable_mosaic.version = 14 : i64} {
  func.func @gather_kernel(%arg0: i32, %arg1: i32, %arg2: memref<6400x128xi32, #tpu.memory_space<hbm>>, %arg3: memref<100000x128xf32, #tpu.memory_space<hbm>>, %arg4: memref<819200x128xf32, #tpu.memory_space<hbm>>, %arg5: memref<200x128xi32, #tpu.memory_space<vmem>>, %arg6: memref<6x128x128xf32, #tpu.memory_space<vmem>>, %arg7: memref<6x!tpu.dma_semaphore, #tpu.memory_space<semaphore_mem>>, %arg8: memref<6x!tpu.dma_semaphore, #tpu.memory_space<semaphore_mem>>) attributes {dimension_semantics = [#tpu.dimension_semantics<core_parallel>, #tpu.dimension_semantics<subcore_parallel>], iteration_bounds = array<i64: 2, 16>, scalar_prefetch = 0 : i64, scratch_operands = 4 : i64, tpu.core_type = #tpu.core_type<sc_vector_subcore>, window_params = [{transform_indices = #map}, {transform_indices = #map}, {transform_indices = #map}]} {
    %mul3A = arith.constant 2 : i32
    %mul3A_0 = arith.muli %arg1, %mul3A : i32
    %add3A = arith.addi %mul3A_0, %arg0 : i32
    %mul3A_1 = arith.constant 200 : i32
    %mul3A_2 = arith.muli %add3A, %mul3A_1 : i32
    "tpu.region"() ({
      %run_scoped3A = tpu.sem_alloc : memref<!tpu.dma_semaphore, #tpu.memory_space<semaphore_mem>>
      %dma_start3A_201 = arith.constant 0 : i32
      %dma_start3A_202 = tpu.memref_slice %arg2[%mul3A_2, %dma_start3A_201] : memref<6400x128xi32, #tpu.memory_space<hbm>> -> memref<200x128xi32, #tpu.memory_space<hbm>>
      %dma_start3A_203 = arith.constant 0 : i32
      %dma_start3A_204 = tpu.memref_slice %arg2[%mul3A_2, %dma_start3A_203] : memref<6400x128xi32, #tpu.memory_space<hbm>> -> memref<200x128xi32, #tpu.memory_space<hbm>>
      tpu.enqueue_dma source(%dma_start3A_204 : memref<200x128xi32, #tpu.memory_space<hbm>>) target(%arg5 : memref<200x128xi32, #tpu.memory_space<vmem>>) target_semaphore(%run_scoped3A : memref<!tpu.dma_semaphore, #tpu.memory_space<semaphore_mem>>)
      %dma_wait3A_205 = arith.constant 0 : i32
      %dma_wait3A_206 = tpu.memref_slice %arg2[%mul3A_2, %dma_wait3A_205] : memref<6400x128xi32, #tpu.memory_space<hbm>> -> memref<200x128xi32, #tpu.memory_space<hbm>>
      %dma_wait3A_207 = arith.constant 0 : i32
      %dma_wait3A_208 = tpu.memref_slice %arg2[%mul3A_2, %dma_wait3A_207] : memref<6400x128xi32, #tpu.memory_space<hbm>> -> memref<200x128xi32, #tpu.memory_space<hbm>>
      tpu.wait_dma2 semaphore(%run_scoped3A : memref<!tpu.dma_semaphore, #tpu.memory_space<semaphore_mem>>) src(%dma_wait3A_208 : memref<200x128xi32, #tpu.memory_space<hbm>>) dst(%arg5 : memref<200x128xi32, #tpu.memory_space<vmem>>)
      tpu.yield
    }) : () -> ()
    %dma_start3A = arith.constant 0 : i32
    %dma_start3A_3 = arith.constant 0 : i32
    %dma_start3A_4 = arith.constant 0 : i32
    %dma_start3A_5 = arith.constant 0 : i32
    %dma_start3A_6 = arith.constant 0 : i32
    %dma_start3A_7 = tpu.memref_slice %arg6[%dma_start3A_3, %dma_start3A_5, %dma_start3A_6] : memref<6x128x128xf32, #tpu.memory_space<vmem>> -> memref<1x128x128xf32, #tpu.memory_space<vmem>>
    %dma_start3A_8 = tpu.memref_squeeze %dma_start3A_7 : memref<1x128x128xf32, #tpu.memory_space<vmem>> -> memref<128x128xf32, #tpu.memory_space<vmem>>
    %dma_start3A_9 = arith.constant 0 : i32
    %dma_start3A_10 = tpu.memref_slice %arg5[%dma_start3A, %dma_start3A_9] : memref<200x128xi32, #tpu.memory_space<vmem>> -> memref<1x128xi32, #tpu.memory_space<vmem>>
    %dma_start3A_11 = tpu.memref_squeeze %dma_start3A_10 : memref<1x128xi32, #tpu.memory_space<vmem>> -> memref<128xi32, #tpu.memory_space<vmem>>
    %dma_start3A_12 = arith.constant 0 : i32
    %dma_start3A_13 = arith.constant 0 : i32
    %dma_start3A_14 = tpu.memref_slice %arg3[%dma_start3A_12, %dma_start3A_13] : memref<100000x128xf32, #tpu.memory_space<hbm>> -> memref<100000x128xf32, #tpu.memory_space<hbm>>
    %dma_start3A_15 = tpu.memref_slice %arg7[%dma_start3A_4] : memref<6x!tpu.dma_semaphore, #tpu.memory_space<semaphore_mem>> -> memref<1x!tpu.dma_semaphore, #tpu.memory_space<semaphore_mem>>
    %dma_start3A_16 = tpu.memref_squeeze %dma_start3A_15 : memref<1x!tpu.dma_semaphore, #tpu.memory_space<semaphore_mem>> -> memref<!tpu.dma_semaphore, #tpu.memory_space<semaphore_mem>>
    tpu.enqueue_indirect_dma source(%dma_start3A_14 : memref<100000x128xf32, #tpu.memory_space<hbm>>) target(%dma_start3A_8 : memref<128x128xf32, #tpu.memory_space<vmem>>) offsets(%dma_start3A_11 : memref<128xi32, #tpu.memory_space<vmem>>) semaphore(%dma_start3A_16 : memref<!tpu.dma_semaphore, #tpu.memory_space<semaphore_mem>>)
    %dma_start3A_17 = arith.constant 1 : i32
    %dma_start3A_18 = arith.constant 1 : i32
    %dma_start3A_19 = arith.constant 1 : i32
    %dma_start3A_20 = arith.constant 0 : i32
    %dma_start3A_21 = arith.constant 0 : i32
    %dma_start3A_22 = tpu.memref_slice %arg6[%dma_start3A_18, %dma_start3A_20, %dma_start3A_21] : memref<6x128x128xf32, #tpu.memory_space<vmem>> -> memref<1x128x128xf32, #tpu.memory_space<vmem>>
    %dma_start3A_23 = tpu.memref_squeeze %dma_start3A_22 : memref<1x128x128xf32, #tpu.memory_space<vmem>> -> memref<128x128xf32, #tpu.memory_space<vmem>>
    %dma_start3A_24 = arith.constant 0 : i32
    %dma_start3A_25 = tpu.memref_slice %arg5[%dma_start3A_17, %dma_start3A_24] : memref<200x128xi32, #tpu.memory_space<vmem>> -> memref<1x128xi32, #tpu.memory_space<vmem>>
    %dma_start3A_26 = tpu.memref_squeeze %dma_start3A_25 : memref<1x128xi32, #tpu.memory_space<vmem>> -> memref<128xi32, #tpu.memory_space<vmem>>
    %dma_start3A_27 = arith.constant 0 : i32
    %dma_start3A_28 = arith.constant 0 : i32
    %dma_start3A_29 = tpu.memref_slice %arg3[%dma_start3A_27, %dma_start3A_28] : memref<100000x128xf32, #tpu.memory_space<hbm>> -> memref<100000x128xf32, #tpu.memory_space<hbm>>
    %dma_start3A_30 = tpu.memref_slice %arg7[%dma_start3A_19] : memref<6x!tpu.dma_semaphore, #tpu.memory_space<semaphore_mem>> -> memref<1x!tpu.dma_semaphore, #tpu.memory_space<semaphore_mem>>
    %dma_start3A_31 = tpu.memref_squeeze %dma_start3A_30 : memref<1x!tpu.dma_semaphore, #tpu.memory_space<semaphore_mem>> -> memref<!tpu.dma_semaphore, #tpu.memory_space<semaphore_mem>>
    tpu.enqueue_indirect_dma source(%dma_start3A_29 : memref<100000x128xf32, #tpu.memory_space<hbm>>) target(%dma_start3A_23 : memref<128x128xf32, #tpu.memory_space<vmem>>) offsets(%dma_start3A_26 : memref<128xi32, #tpu.memory_space<vmem>>) semaphore(%dma_start3A_31 : memref<!tpu.dma_semaphore, #tpu.memory_space<semaphore_mem>>)
    %dma_start3A_32 = arith.constant 2 : i32
    %dma_start3A_33 = arith.constant 2 : i32
    %dma_start3A_34 = arith.constant 2 : i32
    %dma_start3A_35 = arith.constant 0 : i32
    %dma_start3A_36 = arith.constant 0 : i32
    %dma_start3A_37 = tpu.memref_slice %arg6[%dma_start3A_33, %dma_start3A_35, %dma_start3A_36] : memref<6x128x128xf32, #tpu.memory_space<vmem>> -> memref<1x128x128xf32, #tpu.memory_space<vmem>>
    %dma_start3A_38 = tpu.memref_squeeze %dma_start3A_37 : memref<1x128x128xf32, #tpu.memory_space<vmem>> -> memref<128x128xf32, #tpu.memory_space<vmem>>
    %dma_start3A_39 = arith.constant 0 : i32
    %dma_start3A_40 = tpu.memref_slice %arg5[%dma_start3A_32, %dma_start3A_39] : memref<200x128xi32, #tpu.memory_space<vmem>> -> memref<1x128xi32, #tpu.memory_space<vmem>>
    %dma_start3A_41 = tpu.memref_squeeze %dma_start3A_40 : memref<1x128xi32, #tpu.memory_space<vmem>> -> memref<128xi32, #tpu.memory_space<vmem>>
    %dma_start3A_42 = arith.constant 0 : i32
    %dma_start3A_43 = arith.constant 0 : i32
    %dma_start3A_44 = tpu.memref_slice %arg3[%dma_start3A_42, %dma_start3A_43] : memref<100000x128xf32, #tpu.memory_space<hbm>> -> memref<100000x128xf32, #tpu.memory_space<hbm>>
    %dma_start3A_45 = tpu.memref_slice %arg7[%dma_start3A_34] : memref<6x!tpu.dma_semaphore, #tpu.memory_space<semaphore_mem>> -> memref<1x!tpu.dma_semaphore, #tpu.memory_space<semaphore_mem>>
    %dma_start3A_46 = tpu.memref_squeeze %dma_start3A_45 : memref<1x!tpu.dma_semaphore, #tpu.memory_space<semaphore_mem>> -> memref<!tpu.dma_semaphore, #tpu.memory_space<semaphore_mem>>
    tpu.enqueue_indirect_dma source(%dma_start3A_44 : memref<100000x128xf32, #tpu.memory_space<hbm>>) target(%dma_start3A_38 : memref<128x128xf32, #tpu.memory_space<vmem>>) offsets(%dma_start3A_41 : memref<128xi32, #tpu.memory_space<vmem>>) semaphore(%dma_start3A_46 : memref<!tpu.dma_semaphore, #tpu.memory_space<semaphore_mem>>)
    %dma_start3A_47 = arith.constant 3 : i32
    %dma_start3A_48 = arith.constant 3 : i32
    %dma_start3A_49 = arith.constant 3 : i32
    %dma_start3A_50 = arith.constant 0 : i32
    %dma_start3A_51 = arith.constant 0 : i32
    %dma_start3A_52 = tpu.memref_slice %arg6[%dma_start3A_48, %dma_start3A_50, %dma_start3A_51] : memref<6x128x128xf32, #tpu.memory_space<vmem>> -> memref<1x128x128xf32, #tpu.memory_space<vmem>>
    %dma_start3A_53 = tpu.memref_squeeze %dma_start3A_52 : memref<1x128x128xf32, #tpu.memory_space<vmem>> -> memref<128x128xf32, #tpu.memory_space<vmem>>
    %dma_start3A_54 = arith.constant 0 : i32
    %dma_start3A_55 = tpu.memref_slice %arg5[%dma_start3A_47, %dma_start3A_54] : memref<200x128xi32, #tpu.memory_space<vmem>> -> memref<1x128xi32, #tpu.memory_space<vmem>>
    %dma_start3A_56 = tpu.memref_squeeze %dma_start3A_55 : memref<1x128xi32, #tpu.memory_space<vmem>> -> memref<128xi32, #tpu.memory_space<vmem>>
    %dma_start3A_57 = arith.constant 0 : i32
    %dma_start3A_58 = arith.constant 0 : i32
    %dma_start3A_59 = tpu.memref_slice %arg3[%dma_start3A_57, %dma_start3A_58] : memref<100000x128xf32, #tpu.memory_space<hbm>> -> memref<100000x128xf32, #tpu.memory_space<hbm>>
    %dma_start3A_60 = tpu.memref_slice %arg7[%dma_start3A_49] : memref<6x!tpu.dma_semaphore, #tpu.memory_space<semaphore_mem>> -> memref<1x!tpu.dma_semaphore, #tpu.memory_space<semaphore_mem>>
    %dma_start3A_61 = tpu.memref_squeeze %dma_start3A_60 : memref<1x!tpu.dma_semaphore, #tpu.memory_space<semaphore_mem>> -> memref<!tpu.dma_semaphore, #tpu.memory_space<semaphore_mem>>
    tpu.enqueue_indirect_dma source(%dma_start3A_59 : memref<100000x128xf32, #tpu.memory_space<hbm>>) target(%dma_start3A_53 : memref<128x128xf32, #tpu.memory_space<vmem>>) offsets(%dma_start3A_56 : memref<128xi32, #tpu.memory_space<vmem>>) semaphore(%dma_start3A_61 : memref<!tpu.dma_semaphore, #tpu.memory_space<semaphore_mem>>)
    %dma_start3A_62 = arith.constant 4 : i32
    %dma_start3A_63 = arith.constant 4 : i32
    %dma_start3A_64 = arith.constant 4 : i32
    %dma_start3A_65 = arith.constant 0 : i32
    %dma_start3A_66 = arith.constant 0 : i32
    %dma_start3A_67 = tpu.memref_slice %arg6[%dma_start3A_63, %dma_start3A_65, %dma_start3A_66] : memref<6x128x128xf32, #tpu.memory_space<vmem>> -> memref<1x128x128xf32, #tpu.memory_space<vmem>>
    %dma_start3A_68 = tpu.memref_squeeze %dma_start3A_67 : memref<1x128x128xf32, #tpu.memory_space<vmem>> -> memref<128x128xf32, #tpu.memory_space<vmem>>
    %dma_start3A_69 = arith.constant 0 : i32
    %dma_start3A_70 = tpu.memref_slice %arg5[%dma_start3A_62, %dma_start3A_69] : memref<200x128xi32, #tpu.memory_space<vmem>> -> memref<1x128xi32, #tpu.memory_space<vmem>>
    %dma_start3A_71 = tpu.memref_squeeze %dma_start3A_70 : memref<1x128xi32, #tpu.memory_space<vmem>> -> memref<128xi32, #tpu.memory_space<vmem>>
    %dma_start3A_72 = arith.constant 0 : i32
    %dma_start3A_73 = arith.constant 0 : i32
    %dma_start3A_74 = tpu.memref_slice %arg3[%dma_start3A_72, %dma_start3A_73] : memref<100000x128xf32, #tpu.memory_space<hbm>> -> memref<100000x128xf32, #tpu.memory_space<hbm>>
    %dma_start3A_75 = tpu.memref_slice %arg7[%dma_start3A_64] : memref<6x!tpu.dma_semaphore, #tpu.memory_space<semaphore_mem>> -> memref<1x!tpu.dma_semaphore, #tpu.memory_space<semaphore_mem>>
    %dma_start3A_76 = tpu.memref_squeeze %dma_start3A_75 : memref<1x!tpu.dma_semaphore, #tpu.memory_space<semaphore_mem>> -> memref<!tpu.dma_semaphore, #tpu.memory_space<semaphore_mem>>
    tpu.enqueue_indirect_dma source(%dma_start3A_74 : memref<100000x128xf32, #tpu.memory_space<hbm>>) target(%dma_start3A_68 : memref<128x128xf32, #tpu.memory_space<vmem>>) offsets(%dma_start3A_71 : memref<128xi32, #tpu.memory_space<vmem>>) semaphore(%dma_start3A_76 : memref<!tpu.dma_semaphore, #tpu.memory_space<semaphore_mem>>)
    %scan3A = arith.constant 0 : i32
    %scan3A_77 = arith.constant 0 : i32
    %scan3A_78 = arith.constant 200 : i32
    %scan3A_79 = arith.addi %scan3A_77, %scan3A_78 : i32
    %scan3A_80 = arith.constant 1 : i32
    scf.for %scan3A_201 = %scan3A_77 to %scan3A_79 step %scan3A_80  : i32 {
      %rem3A = arith.constant 6 : i32
      %rem3A_202 = arith.remsi %scan3A_201, %rem3A : i32
      %dma_wait3A_203 = arith.constant 0 : i32
      %dma_wait3A_204 = arith.constant 0 : i32
      %dma_wait3A_205 = tpu.memref_slice %arg6[%rem3A_202, %dma_wait3A_203, %dma_wait3A_204] : memref<6x128x128xf32, #tpu.memory_space<vmem>> -> memref<1x128x128xf32, #tpu.memory_space<vmem>>
      %dma_wait3A_206 = tpu.memref_squeeze %dma_wait3A_205 : memref<1x128x128xf32, #tpu.memory_space<vmem>> -> memref<128x128xf32, #tpu.memory_space<vmem>>
      %dma_wait3A_207 = arith.constant 0 : i32
      %dma_wait3A_208 = tpu.memref_slice %arg5[%scan3A_201, %dma_wait3A_207] : memref<200x128xi32, #tpu.memory_space<vmem>> -> memref<1x128xi32, #tpu.memory_space<vmem>>
      %dma_wait3A_209 = tpu.memref_squeeze %dma_wait3A_208 : memref<1x128xi32, #tpu.memory_space<vmem>> -> memref<128xi32, #tpu.memory_space<vmem>>
      %dma_wait3A_210 = arith.constant 0 : i32
      %dma_wait3A_211 = arith.constant 0 : i32
      %dma_wait3A_212 = tpu.memref_slice %arg3[%dma_wait3A_210, %dma_wait3A_211] : memref<100000x128xf32, #tpu.memory_space<hbm>> -> memref<100000x128xf32, #tpu.memory_space<hbm>>
      %dma_wait3A_213 = tpu.memref_slice %arg7[%rem3A_202] : memref<6x!tpu.dma_semaphore, #tpu.memory_space<semaphore_mem>> -> memref<1x!tpu.dma_semaphore, #tpu.memory_space<semaphore_mem>>
      %dma_wait3A_214 = tpu.memref_squeeze %dma_wait3A_213 : memref<1x!tpu.dma_semaphore, #tpu.memory_space<semaphore_mem>> -> memref<!tpu.dma_semaphore, #tpu.memory_space<semaphore_mem>>
      tpu.wait_indirect_dma semaphore(%dma_wait3A_214 : memref<!tpu.dma_semaphore, #tpu.memory_space<semaphore_mem>>) src(%dma_wait3A_212 : memref<100000x128xf32, #tpu.memory_space<hbm>>) dst(%dma_wait3A_206 : memref<128x128xf32, #tpu.memory_space<vmem>>)
      %add3A_215 = arith.addi %mul3A_2, %scan3A_201 : i32
      %mul3A_216 = arith.constant 128 : i32
      %mul3A_217 = arith.muli %add3A_215, %mul3A_216 : i32
      %dma_start3A_218 = arith.constant 0 : i32
      %dma_start3A_219 = arith.constant 0 : i32
      %dma_start3A_220 = tpu.memref_slice %arg6[%rem3A_202, %dma_start3A_218, %dma_start3A_219] : memref<6x128x128xf32, #tpu.memory_space<vmem>> -> memref<1x128x128xf32, #tpu.memory_space<vmem>>
      %dma_start3A_221 = tpu.memref_squeeze %dma_start3A_220 : memref<1x128x128xf32, #tpu.memory_space<vmem>> -> memref<128x128xf32, #tpu.memory_space<vmem>>
      %dma_start3A_222 = arith.constant 0 : i32
      %dma_start3A_223 = tpu.memref_slice %arg4[%mul3A_217, %dma_start3A_222] : memref<819200x128xf32, #tpu.memory_space<hbm>> -> memref<128x128xf32, #tpu.memory_space<hbm>>
      %dma_start3A_224 = tpu.memref_slice %arg8[%rem3A_202] : memref<6x!tpu.dma_semaphore, #tpu.memory_space<semaphore_mem>> -> memref<1x!tpu.dma_semaphore, #tpu.memory_space<semaphore_mem>>
      %dma_start3A_225 = tpu.memref_squeeze %dma_start3A_224 : memref<1x!tpu.dma_semaphore, #tpu.memory_space<semaphore_mem>> -> memref<!tpu.dma_semaphore, #tpu.memory_space<semaphore_mem>>
      %dma_start3A_226 = arith.constant 0 : i32
      %dma_start3A_227 = tpu.memref_slice %arg4[%mul3A_217, %dma_start3A_226] : memref<819200x128xf32, #tpu.memory_space<hbm>> -> memref<128x128xf32, #tpu.memory_space<hbm>>
      %dma_start3A_228 = arith.constant 0 : i32
      %dma_start3A_229 = arith.constant 0 : i32
      %dma_start3A_230 = tpu.memref_slice %arg6[%rem3A_202, %dma_start3A_228, %dma_start3A_229] : memref<6x128x128xf32, #tpu.memory_space<vmem>> -> memref<1x128x128xf32, #tpu.memory_space<vmem>>
      %dma_start3A_231 = tpu.memref_squeeze %dma_start3A_230 : memref<1x128x128xf32, #tpu.memory_space<vmem>> -> memref<128x128xf32, #tpu.memory_space<vmem>>
      tpu.enqueue_dma source(%dma_start3A_231 : memref<128x128xf32, #tpu.memory_space<vmem>>) target(%dma_start3A_227 : memref<128x128xf32, #tpu.memory_space<hbm>>) target_semaphore(%dma_start3A_225 : memref<!tpu.dma_semaphore, #tpu.memory_space<semaphore_mem>>)
      %add3A_232 = arith.constant 5 : i32
      %add3A_233 = arith.addi %scan3A_201, %add3A_232 : i32
      %rem3A_234 = arith.constant 6 : i32
      %rem3A_235 = arith.remsi %add3A_233, %rem3A_234 : i32
      %lt3A = arith.constant 200 : i32
      %lt3A_236 = arith.cmpi slt, %add3A_233, %lt3A : i32
      %convert_element_type3A = arith.extui %lt3A_236 : i1 to i32
      %cond3A = arith.constant 0 : i32
      %cond3A_237 = arith.cmpi ne, %convert_element_type3A, %cond3A : i32
      scf.if %cond3A_237 {
        %ge3A = arith.constant 1 : i32
        %ge3A_238 = arith.cmpi sge, %scan3A_201, %ge3A : i32
        %convert_element_type3A_239 = arith.extui %ge3A_238 : i1 to i32
        %cond3A_240 = arith.constant 0 : i32
        %cond3A_241 = arith.cmpi ne, %convert_element_type3A_239, %cond3A_240 : i32
        scf.if %cond3A_241 {
          %sub3A = arith.constant 6 : i32
          %sub3A_254 = arith.subi %add3A_233, %sub3A : i32
          %add3A_255 = arith.addi %mul3A_2, %sub3A_254 : i32
          %mul3A_256 = arith.constant 128 : i32
          %mul3A_257 = arith.muli %add3A_255, %mul3A_256 : i32
          %dma_wait3A_258 = arith.constant 0 : i32
          %dma_wait3A_259 = arith.constant 0 : i32
          %dma_wait3A_260 = tpu.memref_slice %arg6[%rem3A_235, %dma_wait3A_258, %dma_wait3A_259] : memref<6x128x128xf32, #tpu.memory_space<vmem>> -> memref<1x128x128xf32, #tpu.memory_space<vmem>>
          %dma_wait3A_261 = tpu.memref_squeeze %dma_wait3A_260 : memref<1x128x128xf32, #tpu.memory_space<vmem>> -> memref<128x128xf32, #tpu.memory_space<vmem>>
          %dma_wait3A_262 = arith.constant 0 : i32
          %dma_wait3A_263 = tpu.memref_slice %arg4[%mul3A_257, %dma_wait3A_262] : memref<819200x128xf32, #tpu.memory_space<hbm>> -> memref<128x128xf32, #tpu.memory_space<hbm>>
          %dma_wait3A_264 = tpu.memref_slice %arg8[%rem3A_235] : memref<6x!tpu.dma_semaphore, #tpu.memory_space<semaphore_mem>> -> memref<1x!tpu.dma_semaphore, #tpu.memory_space<semaphore_mem>>
          %dma_wait3A_265 = tpu.memref_squeeze %dma_wait3A_264 : memref<1x!tpu.dma_semaphore, #tpu.memory_space<semaphore_mem>> -> memref<!tpu.dma_semaphore, #tpu.memory_space<semaphore_mem>>
          %dma_wait3A_266 = arith.constant 0 : i32
          %dma_wait3A_267 = tpu.memref_slice %arg4[%mul3A_257, %dma_wait3A_266] : memref<819200x128xf32, #tpu.memory_space<hbm>> -> memref<128x128xf32, #tpu.memory_space<hbm>>
          %dma_wait3A_268 = arith.constant 0 : i32
          %dma_wait3A_269 = arith.constant 0 : i32
          %dma_wait3A_270 = tpu.memref_slice %arg6[%rem3A_235, %dma_wait3A_268, %dma_wait3A_269] : memref<6x128x128xf32, #tpu.memory_space<vmem>> -> memref<1x128x128xf32, #tpu.memory_space<vmem>>
          %dma_wait3A_271 = tpu.memref_squeeze %dma_wait3A_270 : memref<1x128x128xf32, #tpu.memory_space<vmem>> -> memref<128x128xf32, #tpu.memory_space<vmem>>
          tpu.wait_dma2 semaphore(%dma_wait3A_265 : memref<!tpu.dma_semaphore, #tpu.memory_space<semaphore_mem>>) src(%dma_wait3A_271 : memref<128x128xf32, #tpu.memory_space<vmem>>) dst(%dma_wait3A_267 : memref<128x128xf32, #tpu.memory_space<hbm>>)
        } else {
        }
        %dma_start3A_242 = arith.constant 0 : i32
        %dma_start3A_243 = arith.constant 0 : i32
        %dma_start3A_244 = tpu.memref_slice %arg6[%rem3A_235, %dma_start3A_242, %dma_start3A_243] : memref<6x128x128xf32, #tpu.memory_space<vmem>> -> memref<1x128x128xf32, #tpu.memory_space<vmem>>
        %dma_start3A_245 = tpu.memref_squeeze %dma_start3A_244 : memref<1x128x128xf32, #tpu.memory_space<vmem>> -> memref<128x128xf32, #tpu.memory_space<vmem>>
        %dma_start3A_246 = arith.constant 0 : i32
        %dma_start3A_247 = tpu.memref_slice %arg5[%add3A_233, %dma_start3A_246] : memref<200x128xi32, #tpu.memory_space<vmem>> -> memref<1x128xi32, #tpu.memory_space<vmem>>
        %dma_start3A_248 = tpu.memref_squeeze %dma_start3A_247 : memref<1x128xi32, #tpu.memory_space<vmem>> -> memref<128xi32, #tpu.memory_space<vmem>>
        %dma_start3A_249 = arith.constant 0 : i32
        %dma_start3A_250 = arith.constant 0 : i32
        %dma_start3A_251 = tpu.memref_slice %arg3[%dma_start3A_249, %dma_start3A_250] : memref<100000x128xf32, #tpu.memory_space<hbm>> -> memref<100000x128xf32, #tpu.memory_space<hbm>>
        %dma_start3A_252 = tpu.memref_slice %arg7[%rem3A_235] : memref<6x!tpu.dma_semaphore, #tpu.memory_space<semaphore_mem>> -> memref<1x!tpu.dma_semaphore, #tpu.memory_space<semaphore_mem>>
        %dma_start3A_253 = tpu.memref_squeeze %dma_start3A_252 : memref<1x!tpu.dma_semaphore, #tpu.memory_space<semaphore_mem>> -> memref<!tpu.dma_semaphore, #tpu.memory_space<semaphore_mem>>
        tpu.enqueue_indirect_dma source(%dma_start3A_251 : memref<100000x128xf32, #tpu.memory_space<hbm>>) target(%dma_start3A_245 : memref<128x128xf32, #tpu.memory_space<vmem>>) offsets(%dma_start3A_248 : memref<128xi32, #tpu.memory_space<vmem>>) semaphore(%dma_start3A_253 : memref<!tpu.dma_semaphore, #tpu.memory_space<semaphore_mem>>)
      } else {
      }
    }
    %scan3A_81 = arith.constant 200 : i32
    %add3A_82 = arith.constant 194 : i32
    %add3A_83 = arith.addi %mul3A_2, %add3A_82 : i32
    %mul3A_84 = arith.constant 128 : i32
    %mul3A_85 = arith.muli %add3A_83, %mul3A_84 : i32
    %dma_wait3A = arith.constant 2 : i32
    %dma_wait3A_86 = arith.constant 2 : i32
    %dma_wait3A_87 = arith.constant 0 : i32
    %dma_wait3A_88 = arith.constant 0 : i32
    %dma_wait3A_89 = tpu.memref_slice %arg6[%dma_wait3A, %dma_wait3A_87, %dma_wait3A_88] : memref<6x128x128xf32, #tpu.memory_space<vmem>> -> memref<1x128x128xf32, #tpu.memory_space<vmem>>
    %dma_wait3A_90 = tpu.memref_squeeze %dma_wait3A_89 : memref<1x128x128xf32, #tpu.memory_space<vmem>> -> memref<128x128xf32, #tpu.memory_space<vmem>>
    %dma_wait3A_91 = arith.constant 0 : i32
    %dma_wait3A_92 = tpu.memref_slice %arg4[%mul3A_85, %dma_wait3A_91] : memref<819200x128xf32, #tpu.memory_space<hbm>> -> memref<128x128xf32, #tpu.memory_space<hbm>>
    %dma_wait3A_93 = tpu.memref_slice %arg8[%dma_wait3A_86] : memref<6x!tpu.dma_semaphore, #tpu.memory_space<semaphore_mem>> -> memref<1x!tpu.dma_semaphore, #tpu.memory_space<semaphore_mem>>
    %dma_wait3A_94 = tpu.memref_squeeze %dma_wait3A_93 : memref<1x!tpu.dma_semaphore, #tpu.memory_space<semaphore_mem>> -> memref<!tpu.dma_semaphore, #tpu.memory_space<semaphore_mem>>
    %dma_wait3A_95 = arith.constant 0 : i32
    %dma_wait3A_96 = tpu.memref_slice %arg4[%mul3A_85, %dma_wait3A_95] : memref<819200x128xf32, #tpu.memory_space<hbm>> -> memref<128x128xf32, #tpu.memory_space<hbm>>
    %dma_wait3A_97 = arith.constant 0 : i32
    %dma_wait3A_98 = arith.constant 0 : i32
    %dma_wait3A_99 = tpu.memref_slice %arg6[%dma_wait3A, %dma_wait3A_97, %dma_wait3A_98] : memref<6x128x128xf32, #tpu.memory_space<vmem>> -> memref<1x128x128xf32, #tpu.memory_space<vmem>>
    %dma_wait3A_100 = tpu.memref_squeeze %dma_wait3A_99 : memref<1x128x128xf32, #tpu.memory_space<vmem>> -> memref<128x128xf32, #tpu.memory_space<vmem>>
    tpu.wait_dma2 semaphore(%dma_wait3A_94 : memref<!tpu.dma_semaphore, #tpu.memory_space<semaphore_mem>>) src(%dma_wait3A_100 : memref<128x128xf32, #tpu.memory_space<vmem>>) dst(%dma_wait3A_96 : memref<128x128xf32, #tpu.memory_space<hbm>>)
    %add3A_101 = arith.constant 195 : i32
    %add3A_102 = arith.addi %mul3A_2, %add3A_101 : i32
    %mul3A_103 = arith.constant 128 : i32
    %mul3A_104 = arith.muli %add3A_102, %mul3A_103 : i32
    %dma_wait3A_105 = arith.constant 3 : i32
    %dma_wait3A_106 = arith.constant 3 : i32
    %dma_wait3A_107 = arith.constant 0 : i32
    %dma_wait3A_108 = arith.constant 0 : i32
    %dma_wait3A_109 = tpu.memref_slice %arg6[%dma_wait3A_105, %dma_wait3A_107, %dma_wait3A_108] : memref<6x128x128xf32, #tpu.memory_space<vmem>> -> memref<1x128x128xf32, #tpu.memory_space<vmem>>
    %dma_wait3A_110 = tpu.memref_squeeze %dma_wait3A_109 : memref<1x128x128xf32, #tpu.memory_space<vmem>> -> memref<128x128xf32, #tpu.memory_space<vmem>>
    %dma_wait3A_111 = arith.constant 0 : i32
    %dma_wait3A_112 = tpu.memref_slice %arg4[%mul3A_104, %dma_wait3A_111] : memref<819200x128xf32, #tpu.memory_space<hbm>> -> memref<128x128xf32, #tpu.memory_space<hbm>>
    %dma_wait3A_113 = tpu.memref_slice %arg8[%dma_wait3A_106] : memref<6x!tpu.dma_semaphore, #tpu.memory_space<semaphore_mem>> -> memref<1x!tpu.dma_semaphore, #tpu.memory_space<semaphore_mem>>
    %dma_wait3A_114 = tpu.memref_squeeze %dma_wait3A_113 : memref<1x!tpu.dma_semaphore, #tpu.memory_space<semaphore_mem>> -> memref<!tpu.dma_semaphore, #tpu.memory_space<semaphore_mem>>
    %dma_wait3A_115 = arith.constant 0 : i32
    %dma_wait3A_116 = tpu.memref_slice %arg4[%mul3A_104, %dma_wait3A_115] : memref<819200x128xf32, #tpu.memory_space<hbm>> -> memref<128x128xf32, #tpu.memory_space<hbm>>
    %dma_wait3A_117 = arith.constant 0 : i32
    %dma_wait3A_118 = arith.constant 0 : i32
    %dma_wait3A_119 = tpu.memref_slice %arg6[%dma_wait3A_105, %dma_wait3A_117, %dma_wait3A_118] : memref<6x128x128xf32, #tpu.memory_space<vmem>> -> memref<1x128x128xf32, #tpu.memory_space<vmem>>
    %dma_wait3A_120 = tpu.memref_squeeze %dma_wait3A_119 : memref<1x128x128xf32, #tpu.memory_space<vmem>> -> memref<128x128xf32, #tpu.memory_space<vmem>>
    tpu.wait_dma2 semaphore(%dma_wait3A_114 : memref<!tpu.dma_semaphore, #tpu.memory_space<semaphore_mem>>) src(%dma_wait3A_120 : memref<128x128xf32, #tpu.memory_space<vmem>>) dst(%dma_wait3A_116 : memref<128x128xf32, #tpu.memory_space<hbm>>)
    %add3A_121 = arith.constant 196 : i32
    %add3A_122 = arith.addi %mul3A_2, %add3A_121 : i32
    %mul3A_123 = arith.constant 128 : i32
    %mul3A_124 = arith.muli %add3A_122, %mul3A_123 : i32
    %dma_wait3A_125 = arith.constant 4 : i32
    %dma_wait3A_126 = arith.constant 4 : i32
    %dma_wait3A_127 = arith.constant 0 : i32
    %dma_wait3A_128 = arith.constant 0 : i32
    %dma_wait3A_129 = tpu.memref_slice %arg6[%dma_wait3A_125, %dma_wait3A_127, %dma_wait3A_128] : memref<6x128x128xf32, #tpu.memory_space<vmem>> -> memref<1x128x128xf32, #tpu.memory_space<vmem>>
    %dma_wait3A_130 = tpu.memref_squeeze %dma_wait3A_129 : memref<1x128x128xf32, #tpu.memory_space<vmem>> -> memref<128x128xf32, #tpu.memory_space<vmem>>
    %dma_wait3A_131 = arith.constant 0 : i32
    %dma_wait3A_132 = tpu.memref_slice %arg4[%mul3A_124, %dma_wait3A_131] : memref<819200x128xf32, #tpu.memory_space<hbm>> -> memref<128x128xf32, #tpu.memory_space<hbm>>
    %dma_wait3A_133 = tpu.memref_slice %arg8[%dma_wait3A_126] : memref<6x!tpu.dma_semaphore, #tpu.memory_space<semaphore_mem>> -> memref<1x!tpu.dma_semaphore, #tpu.memory_space<semaphore_mem>>
    %dma_wait3A_134 = tpu.memref_squeeze %dma_wait3A_133 : memref<1x!tpu.dma_semaphore, #tpu.memory_space<semaphore_mem>> -> memref<!tpu.dma_semaphore, #tpu.memory_space<semaphore_mem>>
    %dma_wait3A_135 = arith.constant 0 : i32
    %dma_wait3A_136 = tpu.memref_slice %arg4[%mul3A_124, %dma_wait3A_135] : memref<819200x128xf32, #tpu.memory_space<hbm>> -> memref<128x128xf32, #tpu.memory_space<hbm>>
    %dma_wait3A_137 = arith.constant 0 : i32
    %dma_wait3A_138 = arith.constant 0 : i32
    %dma_wait3A_139 = tpu.memref_slice %arg6[%dma_wait3A_125, %dma_wait3A_137, %dma_wait3A_138] : memref<6x128x128xf32, #tpu.memory_space<vmem>> -> memref<1x128x128xf32, #tpu.memory_space<vmem>>
    %dma_wait3A_140 = tpu.memref_squeeze %dma_wait3A_139 : memref<1x128x128xf32, #tpu.memory_space<vmem>> -> memref<128x128xf32, #tpu.memory_space<vmem>>
    tpu.wait_dma2 semaphore(%dma_wait3A_134 : memref<!tpu.dma_semaphore, #tpu.memory_space<semaphore_mem>>) src(%dma_wait3A_140 : memref<128x128xf32, #tpu.memory_space<vmem>>) dst(%dma_wait3A_136 : memref<128x128xf32, #tpu.memory_space<hbm>>)
    %add3A_141 = arith.constant 197 : i32
    %add3A_142 = arith.addi %mul3A_2, %add3A_141 : i32
    %mul3A_143 = arith.constant 128 : i32
    %mul3A_144 = arith.muli %add3A_142, %mul3A_143 : i32
    %dma_wait3A_145 = arith.constant 5 : i32
    %dma_wait3A_146 = arith.constant 5 : i32
    %dma_wait3A_147 = arith.constant 0 : i32
    %dma_wait3A_148 = arith.constant 0 : i32
    %dma_wait3A_149 = tpu.memref_slice %arg6[%dma_wait3A_145, %dma_wait3A_147, %dma_wait3A_148] : memref<6x128x128xf32, #tpu.memory_space<vmem>> -> memref<1x128x128xf32, #tpu.memory_space<vmem>>
    %dma_wait3A_150 = tpu.memref_squeeze %dma_wait3A_149 : memref<1x128x128xf32, #tpu.memory_space<vmem>> -> memref<128x128xf32, #tpu.memory_space<vmem>>
    %dma_wait3A_151 = arith.constant 0 : i32
    %dma_wait3A_152 = tpu.memref_slice %arg4[%mul3A_144, %dma_wait3A_151] : memref<819200x128xf32, #tpu.memory_space<hbm>> -> memref<128x128xf32, #tpu.memory_space<hbm>>
    %dma_wait3A_153 = tpu.memref_slice %arg8[%dma_wait3A_146] : memref<6x!tpu.dma_semaphore, #tpu.memory_space<semaphore_mem>> -> memref<1x!tpu.dma_semaphore, #tpu.memory_space<semaphore_mem>>
    %dma_wait3A_154 = tpu.memref_squeeze %dma_wait3A_153 : memref<1x!tpu.dma_semaphore, #tpu.memory_space<semaphore_mem>> -> memref<!tpu.dma_semaphore, #tpu.memory_space<semaphore_mem>>
    %dma_wait3A_155 = arith.constant 0 : i32
    %dma_wait3A_156 = tpu.memref_slice %arg4[%mul3A_144, %dma_wait3A_155] : memref<819200x128xf32, #tpu.memory_space<hbm>> -> memref<128x128xf32, #tpu.memory_space<hbm>>
    %dma_wait3A_157 = arith.constant 0 : i32
    %dma_wait3A_158 = arith.constant 0 : i32
    %dma_wait3A_159 = tpu.memref_slice %arg6[%dma_wait3A_145, %dma_wait3A_157, %dma_wait3A_158] : memref<6x128x128xf32, #tpu.memory_space<vmem>> -> memref<1x128x128xf32, #tpu.memory_space<vmem>>
    %dma_wait3A_160 = tpu.memref_squeeze %dma_wait3A_159 : memref<1x128x128xf32, #tpu.memory_space<vmem>> -> memref<128x128xf32, #tpu.memory_space<vmem>>
    tpu.wait_dma2 semaphore(%dma_wait3A_154 : memref<!tpu.dma_semaphore, #tpu.memory_space<semaphore_mem>>) src(%dma_wait3A_160 : memref<128x128xf32, #tpu.memory_space<vmem>>) dst(%dma_wait3A_156 : memref<128x128xf32, #tpu.memory_space<hbm>>)
    %add3A_161 = arith.constant 198 : i32
    %add3A_162 = arith.addi %mul3A_2, %add3A_161 : i32
    %mul3A_163 = arith.constant 128 : i32
    %mul3A_164 = arith.muli %add3A_162, %mul3A_163 : i32
    %dma_wait3A_165 = arith.constant 0 : i32
    %dma_wait3A_166 = arith.constant 0 : i32
    %dma_wait3A_167 = arith.constant 0 : i32
    %dma_wait3A_168 = arith.constant 0 : i32
    %dma_wait3A_169 = tpu.memref_slice %arg6[%dma_wait3A_165, %dma_wait3A_167, %dma_wait3A_168] : memref<6x128x128xf32, #tpu.memory_space<vmem>> -> memref<1x128x128xf32, #tpu.memory_space<vmem>>
    %dma_wait3A_170 = tpu.memref_squeeze %dma_wait3A_169 : memref<1x128x128xf32, #tpu.memory_space<vmem>> -> memref<128x128xf32, #tpu.memory_space<vmem>>
    %dma_wait3A_171 = arith.constant 0 : i32
    %dma_wait3A_172 = tpu.memref_slice %arg4[%mul3A_164, %dma_wait3A_171] : memref<819200x128xf32, #tpu.memory_space<hbm>> -> memref<128x128xf32, #tpu.memory_space<hbm>>
    %dma_wait3A_173 = tpu.memref_slice %arg8[%dma_wait3A_166] : memref<6x!tpu.dma_semaphore, #tpu.memory_space<semaphore_mem>> -> memref<1x!tpu.dma_semaphore, #tpu.memory_space<semaphore_mem>>
    %dma_wait3A_174 = tpu.memref_squeeze %dma_wait3A_173 : memref<1x!tpu.dma_semaphore, #tpu.memory_space<semaphore_mem>> -> memref<!tpu.dma_semaphore, #tpu.memory_space<semaphore_mem>>
    %dma_wait3A_175 = arith.constant 0 : i32
    %dma_wait3A_176 = tpu.memref_slice %arg4[%mul3A_164, %dma_wait3A_175] : memref<819200x128xf32, #tpu.memory_space<hbm>> -> memref<128x128xf32, #tpu.memory_space<hbm>>
    %dma_wait3A_177 = arith.constant 0 : i32
    %dma_wait3A_178 = arith.constant 0 : i32
    %dma_wait3A_179 = tpu.memref_slice %arg6[%dma_wait3A_165, %dma_wait3A_177, %dma_wait3A_178] : memref<6x128x128xf32, #tpu.memory_space<vmem>> -> memref<1x128x128xf32, #tpu.memory_space<vmem>>
    %dma_wait3A_180 = tpu.memref_squeeze %dma_wait3A_179 : memref<1x128x128xf32, #tpu.memory_space<vmem>> -> memref<128x128xf32, #tpu.memory_space<vmem>>
    tpu.wait_dma2 semaphore(%dma_wait3A_174 : memref<!tpu.dma_semaphore, #tpu.memory_space<semaphore_mem>>) src(%dma_wait3A_180 : memref<128x128xf32, #tpu.memory_space<vmem>>) dst(%dma_wait3A_176 : memref<128x128xf32, #tpu.memory_space<hbm>>)
    %add3A_181 = arith.constant 199 : i32
    %add3A_182 = arith.addi %mul3A_2, %add3A_181 : i32
    %mul3A_183 = arith.constant 128 : i32
    %mul3A_184 = arith.muli %add3A_182, %mul3A_183 : i32
    %dma_wait3A_185 = arith.constant 1 : i32
    %dma_wait3A_186 = arith.constant 1 : i32
    %dma_wait3A_187 = arith.constant 0 : i32
    %dma_wait3A_188 = arith.constant 0 : i32
    %dma_wait3A_189 = tpu.memref_slice %arg6[%dma_wait3A_185, %dma_wait3A_187, %dma_wait3A_188] : memref<6x128x128xf32, #tpu.memory_space<vmem>> -> memref<1x128x128xf32, #tpu.memory_space<vmem>>
    %dma_wait3A_190 = tpu.memref_squeeze %dma_wait3A_189 : memref<1x128x128xf32, #tpu.memory_space<vmem>> -> memref<128x128xf32, #tpu.memory_space<vmem>>
    %dma_wait3A_191 = arith.constant 0 : i32
    %dma_wait3A_192 = tpu.memref_slice %arg4[%mul3A_184, %dma_wait3A_191] : memref<819200x128xf32, #tpu.memory_space<hbm>> -> memref<128x128xf32, #tpu.memory_space<hbm>>
    %dma_wait3A_193 = tpu.memref_slice %arg8[%dma_wait3A_186] : memref<6x!tpu.dma_semaphore, #tpu.memory_space<semaphore_mem>> -> memref<1x!tpu.dma_semaphore, #tpu.memory_space<semaphore_mem>>
    %dma_wait3A_194 = tpu.memref_squeeze %dma_wait3A_193 : memref<1x!tpu.dma_semaphore, #tpu.memory_space<semaphore_mem>> -> memref<!tpu.dma_semaphore, #tpu.memory_space<semaphore_mem>>
    %dma_wait3A_195 = arith.constant 0 : i32
    %dma_wait3A_196 = tpu.memref_slice %arg4[%mul3A_184, %dma_wait3A_195] : memref<819200x128xf32, #tpu.memory_space<hbm>> -> memref<128x128xf32, #tpu.memory_space<hbm>>
    %dma_wait3A_197 = arith.constant 0 : i32
    %dma_wait3A_198 = arith.constant 0 : i32
    %dma_wait3A_199 = tpu.memref_slice %arg6[%dma_wait3A_185, %dma_wait3A_197, %dma_wait3A_198] : memref<6x128x128xf32, #tpu.memory_space<vmem>> -> memref<1x128x128xf32, #tpu.memory_space<vmem>>
    %dma_wait3A_200 = tpu.memref_squeeze %dma_wait3A_199 : memref<1x128x128xf32, #tpu.memory_space<vmem>> -> memref<128x128xf32, #tpu.memory_space<vmem>>
    tpu.wait_dma2 semaphore(%dma_wait3A_194 : memref<!tpu.dma_semaphore, #tpu.memory_space<semaphore_mem>>) src(%dma_wait3A_200 : memref<128x128xf32, #tpu.memory_space<vmem>>) dst(%dma_wait3A_196 : memref<128x128xf32, #tpu.memory_space<hbm>>)
    return
  }
}

</mosaic_0001>

<sc_bundles>
// kernel: kernel.3.cloned.1.call-start
scs
__scs_entry_jumppad:
0x0: {  	(pc) =	sbr.rel $0x88, $3  }
0x1: {  	(tag) =	ssettag $0x0;
	lr =	simm.s32 $0x1  }
0x2: {  	[smem:$0x3F9F] =	sst lr;
	_ =	strace $0xD0000000  }
0x3: {  	_ = 	snop  }
0x4: {  	_ = 	snop  }
0x5: {  	_ = 	snop  }
0x6: {  	_ = 	snop  }
0x7: {  	_ = 	snop  }
__scs_overlays_trampoline_lowered:
0x8: {  	[smem:$0x3FAE] =	sst s0  }
0x9: {  	[smem:$0x3FAF] =	sst s1  }
0xa: {  	[smem:$0x3FB0] =	sst s2  }
0xb: {  	[smem:$0x3FB1] =	sst s3  }
0xc: {  	[smem:$0x3FB2] =	sst s4  }
0xd: {  	[smem:$0x3FB3] =	sst s5  }
0xe: {  	[smem:$0x3FB4] =	sst s6  }
0xf: {  	[smem:$0x3FB5] =	sst s7  }
0x10: {  	[smem:$0x3FB6] =	sst s8  }
0x11: {  	[smem:$0x3FB7] =	sst s9;
	s0 =	simm.s32 @!p0 $0x0  }
0x12: {  	s1 =	sld [smem:$0x3F9D];
	s0 =	simm.s32 @p0 $0x1  }
0x13: {  	[smem:$0x3FB8] =	sst s0;
	s0 =	simm.s32 @!p1 $0x0  }
0x14: {  	s2 =	sld [smem:$0x3F9C];
	s0 =	simm.s32 @p1 $0x1  }
0x15: {  	[smem:$0x3FB9] =	sst s0;
	s0 =	simm.s32 @!p2 $0x0  }
0x16: {  	s3 =	sld [smem:$0x3FDB];
	s0 =	simm.s32 @p2 $0x1  }
0x17: {  	s4 =	simm.s32 $0x1BF5;
	[smem:$0x3FBB] =	sst s0  }
0x18: {  	s0 =	sld [smem:$0x3F9E];
	_ =	swait.ge [sflag:s4], $0x0  }
0x19: {  	s7 =	sld [smem:$0x3F9F]  }
0x1a: {  	s8 =	sadd.s32 $0xFFFFE003, lr  }
0x1b: {  	s9 =	sadd.s32 $0xFFFFFEF7, lr;
	s5 =	simm.s32 $0xFFFFFFFF;
	p2 =	slt.u32 s8, $0xFFFFF086  }
0x1c: {  	p1 =	slt.u32 s9, $0xF7A;
	s5 =	simm.s32 @!p2 $0x0  }
0x1d: {  	s5 =	simm.s32 @p1 $0x1;
	p0 =	seq.s32 s7, s2  }
0x1e: {  	s7 =	smul.u32 @!p0 $0xF7A, s2;
	p2 =	seq.s32 @!p0 s5, $0x0  }
0x1f: {  	s9 =	smul.u32 $0xF7A, s1;
	s8 =	simm.s32 @!p0 $0x1BF5;
	p2 =	por !p2, p0  }
0x20: {  	[sflag:s8] =	ssyncset.s32 @!p0 $0xFFFFF086;
	s6 =	sadd.s32 @!p0 s3, s7;
	s7 =	simm.s32 @!p0 $0x108  }
0x21: {  	s3 =	sadd.s32 s3, s9;
	s6 =	sadd.s32 @!p0 $0x88, s6;
	s7 =	simm.s32 @p2 $0x1082  }
0x22: {  	[simem:s7], [sflag:s8] =	dma.local @!p0 [hbm:s6], $0xF7A  }
0x23: {  	s9 =	sor.u32 $0xD0000000, s2;
	s6 =	simm.s32 $0x108;
	_ =	swait.ge @!p0 [sflag:s8], $0x0  }
0x24: {  	s3 =	sadd.s32 $0x88, s3;
	s6 =	simm.s32 @!p1 $0x1082;
	[sflag:s4] =	ssyncset.s32 $0xFFFFF086  }
0x25: {  	[simem:s6], [sflag:s4] =	dma.local [hbm:s3], $0xF7A  }
0x26: {  	[smem:$0x3F9F] =	sst s1;
	(tag) =	ssettag s2;
	_ =	strace s9  }
0x27: {  	s1 =	sld [smem:$0x3FAF]  }
0x28: {  	s2 =	sld [smem:$0x3FB0]  }
0x29: {  	s4 =	sld [smem:$0x3FB2]  }
0x2a: {  	p0 =	seq.s32 s5, $0x0;
	s5 =	sld [smem:$0x3FB3]  }
0x2b: {  	s6 =	sld [smem:$0x3FB4]  }
0x2c: {  	s7 =	sld [smem:$0x3FB5]  }
0x2d: {  	s3 =	simm.s32 $0x108;
	s8 =	sld [smem:$0x3FB6]  }
0x2e: {  	s3 =	simm.s32 @!p0 $0x1082;
	s9 =	sld [smem:$0x3FB7]  }
0x2f: {  	lr =	sadd.s32 s0, s3;
	s0 =	sld [smem:$0x3FAE]  }
0x30: {  	s3 =	sld [smem:$0x3FB1]  }
0x31: {  	[smem:$0x3FBA] =	sst s10  }
0x32: {  	s10 =	sld [smem:$0x3FB8];
	_ =	sdelay $0x3  }
0x33: {  	p0 =	seq.s32 s10, $0x1;
	s10 =	sld [smem:$0x3FBA];
	_ =	sdelay $0x3  }
0x34: {  	[smem:$0x3FBA] =	sst s10  }
0x35: {  	s10 =	sld [smem:$0x3FB9];
	_ =	sdelay $0x3  }
0x36: {  	p1 =	seq.s32 s10, $0x1;
	s10 =	sld [smem:$0x3FBA];
	_ =	sdelay $0x3  }
0x37: {  	[smem:$0x3FBA] =	sst s10  }
0x38: {  	s10 =	sld [smem:$0x3FBB]  }
0x39: {  	_ = 	snop;
	(pc) =	sbr.ind lr, $3  }
0x3a: {  	_ = 	snop  }
0x3b: {  	_ = 	snop  }
0x3c: {  	p2 =	seq.s32 s10, $0x1;
	s10 =	sld [smem:$0x3FBA]  }
0x3d: {  	_ =	shalt  }
0x3e: {  	_ =	shalt  }
0x3f: {  	_ =	shalt  }
0x40: {  	_ =	shalt  }
0x41: {  	_ =	shalt  }
0x42: {  	_ =	shalt  }
0x43: {  	_ =	shalt  }
0x44: {  	_ =	shalt  }
0x45: {  	_ =	shalt  }
0x46: {  	_ =	shalt  }
0x47: {  	_ =	shalt  }
0x48: {  	_ =	shalt  }
0x49: {  	_ =	shalt  }
0x4a: {  	_ =	shalt  }
0x4b: {  	_ =	shalt  }
0x4c: {  	_ =	shalt  }
0x4d: {  	_ =	shalt  }
0x4e: {  	_ =	shalt  }
0x4f: {  	_ =	shalt  }
0x50: {  	_ =	shalt  }
0x51: {  	_ =	shalt  }
0x52: {  	_ =	shalt  }
0x53: {  	_ =	shalt  }
0x54: {  	_ =	shalt  }
0x55: {  	_ =	shalt  }
0x56: {  	_ =	shalt  }
0x57: {  	_ =	shalt  }
0x58: {  	_ =	shalt  }
0x59: {  	_ =	shalt  }
0x5a: {  	_ =	shalt  }
0x5b: {  	_ =	shalt  }
0x5c: {  	_ =	shalt  }
0x5d: {  	_ =	shalt  }
0x5e: {  	_ =	shalt  }
0x5f: {  	_ =	shalt  }
0x60: {  	_ =	shalt  }
0x61: {  	_ =	shalt  }
0x62: {  	_ =	shalt  }
0x63: {  	_ =	shalt  }
0x64: {  	_ =	shalt  }
0x65: {  	_ =	shalt  }
0x66: {  	_ =	shalt  }
0x67: {  	_ =	shalt  }
0x68: {  	_ =	shalt  }
0x69: {  	_ =	shalt  }
0x6a: {  	_ =	shalt  }
0x6b: {  	_ =	shalt  }
0x6c: {  	_ =	shalt  }
0x6d: {  	_ =	shalt  }
0x6e: {  	_ =	shalt  }
0x6f: {  	_ =	shalt  }
0x70: {  	_ =	shalt  }
0x71: {  	_ =	shalt  }
0x72: {  	_ =	shalt  }
0x73: {  	_ =	shalt  }
0x74: {  	_ =	shalt  }
0x75: {  	_ =	shalt  }
0x76: {  	_ =	shalt  }
0x77: {  	_ =	shalt  }
0x78: {  	_ =	shalt  }
0x79: {  	_ =	shalt  }
0x7a: {  	_ =	shalt  }
0x7b: {  	_ =	shalt  }
0x7c: {  	_ =	shalt  }
0x7d: {  	_ =	shalt  }
0x7e: {  	_ =	shalt  }
0x7f: {  	_ =	shalt  }
0x80: {  	_ =	shalt  }
0x81: {  	_ =	shalt  }
0x82: {  	_ =	shalt  }
0x83: {  	_ =	shalt  }
0x84: {  	_ =	shalt  }
0x85: {  	_ =	shalt  }
0x86: {  	_ =	shalt  }
0x87: {  	_ =	shalt  }
.Lfunc_end0:
.L_simem_size_0:
called_computation_lowered:
.L_overlay_start_0:
0x88: {  	s2 =	sld [smem:$0x3FD9]  }
0x89: {  	s3 =	sld [smem:$0x3FFE];
	_ =	sdelay $0x1  }
0x8a: {  	s1 =	srdreg.scid  }
0x8b: {  	s0 =	sand.u32 $0x1, s1  }
0x8c: {  	s17 =	sshll.u32 s0, $0xA;
	s2 =	sadd.s32 s3, s2  }
0x8d: {  	s2 =	sadd.s32 s2, s17  }
0x8e: {  	[smem:$0x3FC6] =	sst s2  }
0x8f: {  	_ = 	snop  }
0x90: {  	s2 =	sld [smem:$0x3FC8]  }
0x91: {  	s18 =	sld [smem:$0x3FD0];
	(tm) =	ssettm $0x1  }
0x92: {  	s4 =	sld [smem:$0x3FFB];
	_ =	sdelay $0x3  }
0x93: {  	_ =	strace s4  }
0x94: {  	s4 =	sld [smem:$0x3FFC];
	_ =	sdelay $0x3  }
0x95: {  	_ =	strace s4  }
0x96: {  	s4 =	sld [smem:$0x3FFD];
	_ =	sdelay $0x3  }
0x97: {  	_ =	strace s4  }
0x98: {  	_ =	strace $0x8FFFFFFF  }
0x99: {  	s19 =	sld [smem:$0x3FDB];
	_ =	sdelay $0x1  }
0x9a: {  	s5 =	simm.s32 $_scs_section_size  }
0x9b: {  	s6 =	simm.s32 $_size__tile_overlayer_lowered;
	s7 =	simm.s32 $_tile_overlayer_lowered  }
0x9c: {  	s22 =	simm.s32 $0x1BFF;
	s21 =	sshll.u32 s7, $0x1;
	s4 =	sadd.s32 s5, s19  }
0x9d: {  	s8 =	simm.s32 $0x0;
	s20 =	sshll.u32 s6, $0x1;
	s6 =	sadd.s32 s21, s4  }
0x9e: {  	[timem:s8], [sflag:s22] =	dma.local [hbm:s6], s20  }
0x9f: {  	_ =	swait.ge [sflag:s22], s20  }
0xa0: {  	s5 =	ssub.s32 $0x0, s20;
	[sflag:s22] =	ssyncset.done $0x0  }
0xa1: {  	[sflag:s22] =	ssyncadd.s32 s5;
	_ =	sdelay $0x1  }
0xa2: {  	s23 =	simm.s32 $0x1B8B  }
0xa3: {  	_ =	swait.ge [sflag:s23], $0x1  }
0xa4: {  	[sflag:s23] =	ssyncset.done $0x0  }
0xa5: {  	s25 =	simm.s32 $0x1B8E;
	s24 =	sld [smem:$0x3FFE];
	[sflag:s23] =	ssyncadd.s32 $0xFFFFFFFF  }
0xa6: {  	s26 =	simm.s32 $execute0_lowered;
	[smem:$0x3FD2] =	sst s25  }
0xa7: {  	s6 =	sshll.u32 s26, $0x1;
	_ =	strace $0x80000046;
	[dreg:$0x1] =	wrdreg $0xFFFFFFFF  }
0xa8: {  	s28 =	simm.s32 $_size_execute0_lowered;
	s4 =	sadd.s32 s4, s6;
	[dreg:$0x0] =	wrdreg $0x0  }
0xa9: {  	s6 =	sshll.u32 s28, $0x1;
	[dreg:$0x2] =	wrdreg s4  }
0xaa: {  	[dreg:$0x3] =	wrdreg s6  }
0xab: {  	[dreg:$0x4] =	wrdreg $0xC0  }
0xac: {  	_ =	task [dreg:s8], $0x5FFFF  }
0xad: {  	[dreg:$0x1] =	wrdreg $0xFFFFFFFF  }
0xae: {  	[dreg:$0x0] =	wrdreg $0x60  }
0xaf: {  	[dreg:$0x2] =	wrdreg s24  }
0xb0: {  	[dreg:$0x3] =	wrdreg s2  }
0xb1: {  	[dreg:$0x4] =	wrdreg s18  }
0xb2: {  	[dreg:$0x5] =	wrdreg $0x9  }
0xb3: {  	_ =	task.clear_ibuf [dreg:s8], $0x6FFFF;
	_ =	strace $0x90000046  }
0xb4: {  	s29 =	simm.s32 $0x9;
	_ =	strace $0x80000048  }
0xb5: {  	_ =	swait.ge [sflag:s29], $0x1  }
0xb6: {  	[sflag:s29] =	ssyncadd.s32 $0xFFFFFFFF  }
0xb7: {  	_ =	strace $0x90000048  }
0xb8: {  	_ =	sfence  }
0xb9: {  	s30 =	sld [smem:$0x0];
	_ =	sdelay $0x2  }
0xba: {  	s31 =	sshll.u32 s1, $0xD;
	s1 =	sshrl.u32 s1, $0x2  }
0xbb: {  	s3 =	sand.u32 $0x4000, s31;
	s1 =	sadd.s32 s1, s30  }
0xbc: {  	s0 =	sor.u32 s3, s0;
	s1 =	sshll.u32 s1, $0x11  }
0xbd: {  	s0 =	sor.u32 s1, s0  }
0xbe: {  	s0 =	sadd.s32 $0x8F2B, s0  }
0xbf: {  	[sflag:s0] =	ssyncadd.remote.s32 $0x1  }
0xc0: {  	_ =	sfence.sel $0xFFFF  }
0xc1: {  	[dreg:$0x0] =	wrdreg $0xFFFFFFFF;
	(pc) =	sbr.abs _section_cstart, $3  }
0xc2: {  	[dreg:$0x1] =	wrdreg $0xFFFFFFFF  }
0xc3: {  	_ =	task.clear_ibuf [dreg:s8], $0x2FFFF;
	_ =	strace $0x9FFFFFFF  }
0xc4: {  	(tm) =	ssettm $0x7FFFFFFF  }
0xc5: {  	_ =	shalt  }
tec
execute0_lowered:
.L_overlay_start_1:
0x0: {  	(tag) =	ssettag $0x1  }
0x1: {  	s0 =	rddreg [dreg:$0x0]  }
0x2: {  	s2 =	rddreg [dreg:$0x1];
	s1 =	srdreg.scid  }
0x3: {  	s8 =	stileid.u32;
	s6 =	rddreg [dreg:$0x2];
	s3 =	simm.s32 $0x0  }
0x4: {  	s15 =	simm.s32 $0x200;
	s16 =	simm.s32 $0x16400;
	s17 =	simm.s32 $0x9  }
0x5: {  	s18 =	simm.s32 $0xA;
	s19 =	simm.s32 $0xB;
	s20 =	simm.s32 $0xC  }
0x6: {  	s21 =	simm.s32 $0x7;
	s22 =	simm.s32 $0x8;
	s1 =	sand.u32 $0x1, s1  }
0x7: {  	s4 =	sshll.u32 s8, $0x1;
	[smem:$0x7FF] =	sst s3;
	s8 =	smul.u32 $0xC8000, s8  }
0x8: {  	s4 =	sor.u32 s1, s4;
	s5 =	ssub.s32 $0x2, s1;
	s1 =	smul.u32 $0x64000, s1  }
0x9: {  	s23 =	simm.s32 $0x0;
	_ =	strace $0x80000047;
	s4 =	smul.u32 $0xC80, s4  }
0xa: {  	s7 =	sshrl.u32 s5, $0x1;
	s31 =	sadd.s32 s8, s6;
	s8 =	simm.s32 $0x80  }
0xb: {  	s5 =	ssub.s32 s5, s7;
	s1 =	sadd.s32 s1, s31;
	s0 =	sadd.s32 s4, s0  }
0xc: {  	s7 =	simm.s32 $0xD;
	s5 =	smax.u32 s5, $0x1;
	s4 =	sadd.s32 $0x400, s0  }
.LBB2_1:
0xd: {  	[tilespmem:s3], [sflag:$0xD] =	stream.linear.gather [hbm4b:s4+s3], $0x6400, $0x38;
	[tilespmem:$0x1E400] =	vst v63  }
0xe: {  	_ =	swait.ge [sflag:s7], $0x6400  }
0xf: {  	s0 =	simm.s32 $0x6400;
	s25 =	simm.s32 $0xA400;
	[sflag:s7] =	ssyncset.done $0x0  }
0x10: {  	s26 =	simm.s32 $0x100;
	s11 =	smul.u32 $0xAB, s3;
	[sflag:s7] =	ssyncadd.s32 $0xFFFF9C00  }
0x11: {  	[tilespmem:s0], [sflag:$0x1] =	stream.indirect.gather [hbm4b:s2+s8], $0x80, s3, s8, $0xb8;
	[tilespmem:$0x1E400] =	vst v63  }
0x12: {  	s6 =	simm.s32 $0xE400;
	s9 =	simm.s32 $0x180;
	s0 =	sshrl.u32 s11, $0xA  }
0x13: {  	s10 =	simm.s32 $0x12400;
	s12 =	simm.s32 $0x5;
	s0 =	sand.u32 $0x3F, s0  }
0x14: {  	[tilespmem:s25], [sflag:$0x2] =	stream.indirect.gather [hbm4b:s2+s8], $0x80, s8, s8, $0xb8;
	[tilespmem:$0x1E400] =	vst v63  }
0x15: {  	s28 =	simm.s32 $0x280;
	s29 =	simm.s32 $0x2;
	s0 =	smul.u32 $0x6, s0  }
0x16: {  	[tilespmem:s6], [sflag:$0x3] =	stream.indirect.gather [hbm4b:s2+s8], $0x80, s26, s8, $0xb8;
	[tilespmem:$0x1E400] =	vst v63  }
0x17: {  	p1 =	por $0x0, $0x0;
	s24 =	simm.s32 $0x300;
	s6 =	sand.u32 $0xFF, s12  }
0x18: {  	p0 =	por @!p1 $0x1, $0x1;
	s0 =	ssub.s32 $0x0, s0;
	s6 =	smul.u32 $0xAB, s6  }
0x19: {  	[tilespmem:s10], [sflag:$0x4] =	stream.indirect.gather [hbm4b:s2+s8], $0x80, s9, s8, $0xb8;
	[tilespmem:$0x1E400] =	vst v63  }
0x1a: {  	p0 =	por p0, p1;
	s25 =	sadd.s32 $0x800, s1;
	s10 =	sand.u32 $0xFF, s0  }
0x1b: {  	s26 =	simm.s32 $0x1;
	s6 =	sshrl.u32 s6, $0xA;
	s14 =	sadd.s32 $0x1, s10  }
0x1c: {  	s11 =	sshll.u32 s10, $0xE;
	s10 =	sadd.s32 $0x7, s10;
	s13 =	smul.u32 $0x6, s6  }
0x1d: {  	[tilespmem:s16], [sflag:$0x5] =	stream.indirect.gather [hbm4b:s2+s8], $0x80, s15, s8, $0xb8;
	[tilespmem:$0x1E400] =	vst v63  }
0x1e: {  	s11 =	sadd.s32 $0x6400, s11;
	_ =	swait.ge [sflag:s14], $0x4000;
	s0 =	ssub.s32 $0x5, s13  }
0x1f: {  	s6 =	smov.u32 s1;
	[sflag:s14] =	ssyncset.done $0x0;
	s9 =	sand.u32 $0xFF, s0  }
0x20: {  	[sflag:s14] =	ssyncadd.s32 $0xFFFFC000;
	s0 =	sadd.s32 @!p0 $0x7, s9;
	s30 =	sshll.u32 @!p1 s9, $0xE  }
0x21: {  	s31 =	sadd.s32 @!p1 $0x1, s9;
	s9 =	smul.u32 $0xAB, s26;
	s30 =	sadd.s32 @!p1 $0x6400, s30  }
.LBB2_2:
0x22: {  	[hbm4b:s6+s3] =	stream.linear.scatter [tilespmem:s11], [sflag:s10], $0x4000, $0x38;
	[tilespmem:$0x1E400] =	vst v63  }
0x23: {  	s10 =	smov.u32 s29  }
0x24: {  	s6 =	smov.u32 s25;
	s11 =	smov.u32 s28;
	p3 =	por p1, p1  }
0x25: {  	s12 =	sadd.s32 $0x5, s26;
	s9 =	sshrl.u32 s9, $0xA;
	_ =	swait.ge @!p0 [sflag:s0], $0x4000  }
0x26: {  	s29 =	sadd.s32 $0x1, s29;
	s9 =	sand.u32 $0x3F, s9;
	[sflag:s0] =	ssyncset.done @!p0 $0x0  }
0x27: {  	s28 =	sand.u32 $0xFF, s12;
	s9 =	smul.u32 $0x6, s9;
	[sflag:s0] =	ssyncadd.s32 @!p0 $0xFFFFC000  }
0x28: {  	p2 =	sne.s32 s29, $0xC8;
	s0 =	smul.u32 $0xAB, s28;
	s28 =	smov.u32 s24  }
0x29: {  	s9 =	ssub.s32 s26, s9  }
0x2a: {  	p1 =	sgt.u32 s26, $0xC2;
	s0 =	sshrl.u32 s0, $0xA;
	s13 =	sand.u32 $0xFF, s9  }
0x2b: {  	s0 =	smul.u32 $0x6, s0;
	s9 =	sadd.s32 $0x1, s13;
	s14 =	sshll.u32 s13, $0xE  }
0x2c: {  	s25 =	sadd.s32 $0x800, s25;
	p0 =	seq.s32 @!p1 s26, $0x0;
	s26 =	smov.u32 s10  }
0x2d: {  	p0 =	por p0, p1;
	s10 =	simm.s32 @!p3 $0x80;
	s0 =	ssub.s32 s12, s0  }
0x2e: {  	[tilespmem:s30], [sflag:s31] =	stream.indirect.gather @!p3 [hbm4b:s2+s10], $0x80, s11, s10, $0xb8;
	[tilespmem:$0x1E400] =	vst v63  }
.Ltmp0:
0x2f: {  	_ = 	snop;
	(pc) =	sbr.rel @p2 .LBB2_2-.Ltmp0, $4  }
0x30: {  	s24 =	sadd.s32 $0x80, s24;
	s10 =	sand.u32 $0xFF, s0;
	_ =	swait.ge [sflag:s9], $0x4000  }
0x31: {  	s0 =	sadd.s32 @!p0 $0x7, s10;
	s11 =	sshll.u32 @!p1 s10, $0xE;
	[sflag:s9] =	ssyncset.done $0x0  }
0x32: {  	s31 =	sadd.s32 @!p1 $0x1, s10;
	s30 =	sadd.s32 @!p1 $0x6400, s11;
	[sflag:s9] =	ssyncadd.s32 $0xFFFFC000  }
0x33: {  	s10 =	sadd.s32 $0x7, s13;
	s11 =	sadd.s32 $0x6400, s14;
	s9 =	smul.u32 $0xAB, s26  }
0x34: {  	[hbm4b:s6+s3] =	stream.linear.scatter [tilespmem:s11], [sflag:s10], $0x4000, $0x38;
	[tilespmem:$0x1E400] =	vst v63  }
0x35: {  	s12 =	sadd.s32 $0x5, s26  }
0x36: {  	s11 =	sshrl.u32 s9, $0xA;
	s13 =	sand.u32 $0xFF, s12  }
0x37: {  	_ =	swait.ge @!p0 [sflag:s0], $0x4000;
	s6 =	sand.u32 $0x3F, s11;
	s10 =	smul.u32 $0xAB, s13  }
0x38: {  	[sflag:s0] =	ssyncset.done @!p0 $0x0;
	s6 =	smul.u32 $0x6, s6  }
0x39: {  	[sflag:s0] =	ssyncadd.s32 @!p0 $0xFFFFC000;
	s10 =	sshrl.u32 s10, $0xA  }
0x3a: {  	p0 =	sgt.u32 s26, $0xC2;
	s6 =	ssub.s32 s26, s6;
	s10 =	smul.u32 $0x6, s10  }
0x3b: {  	p1 =	por p1, p1;
	p2 =	seq.s32 @!p0 s26, $0x0;
	s6 =	sand.u32 $0xFF, s6  }
0x3c: {  	s14 =	sadd.s32 $0x1, s6;
	s9 =	ssub.s32 s12, s10;
	s10 =	simm.s32 @!p1 $0x80  }
0x3d: {  	[tilespmem:s30], [sflag:s31] =	stream.indirect.gather @!p1 [hbm4b:s2+s10], $0x80, s28, s10, $0xb8;
	[tilespmem:$0x1E400] =	vst v63  }
0x3e: {  	s29 =	sshll.u32 s6, $0xE;
	p1 =	por p2, p0;
	_ =	swait.ge [sflag:s14], $0x4000  }
0x3f: {  	s9 =	sand.u32 $0xFF, s9;
	s30 =	sadd.s32 $0x7, s6;
	[sflag:s14] =	ssyncset.done $0x0  }
0x40: {  	s31 =	sadd.s32 $0x6400, s29;
	s11 =	sadd.s32 @!p1 $0x7, s9;
	[sflag:s14] =	ssyncadd.s32 $0xFFFFC000  }
0x41: {  	[hbm4b:s25+s3] =	stream.linear.scatter [tilespmem:s31], [sflag:s30], $0x4000, $0x38;
	[tilespmem:$0x1E400] =	vst v63  }
0x42: {  	p2 =	por p0, p0;
	_ =	swait.ge @!p1 [sflag:s11], $0x4000  }
0x43: {  	s0 =	sshll.u32 @!p0 s9, $0xE;
	s6 =	sadd.s32 @!p0 $0x1, s9;
	[sflag:s11] =	ssyncset.done @!p1 $0x0  }
0x44: {  	s9 =	simm.s32 @!p2 $0x80;
	s0 =	sadd.s32 @!p0 $0x6400, s0;
	[sflag:s11] =	ssyncadd.s32 @!p1 $0xFFFFC000  }
0x45: {  	[tilespmem:s0], [sflag:s6] =	stream.indirect.gather @!p2 [hbm4b:s2+s9], $0x80, s24, s9, $0xb8;
	[tilespmem:$0x1E400] =	vst v63  }
0x46: {  	_ =	swait.ge [sflag:s17], $0x4000  }
0x47: {  	[sflag:s17] =	ssyncset.done $0x0  }
0x48: {  	[sflag:s17] =	ssyncadd.s32 $0xFFFFC000  }
0x49: {  	_ =	swait.ge [sflag:s18], $0x4000  }
0x4a: {  	[sflag:s18] =	ssyncset.done $0x0  }
0x4b: {  	[sflag:s18] =	ssyncadd.s32 $0xFFFFC000  }
0x4c: {  	_ =	swait.ge [sflag:s19], $0x4000  }
0x4d: {  	[sflag:s19] =	ssyncset.done $0x0  }
0x4e: {  	[sflag:s19] =	ssyncadd.s32 $0xFFFFC000  }
0x4f: {  	_ =	swait.ge [sflag:s20], $0x4000  }
0x50: {  	[sflag:s20] =	ssyncset.done $0x0  }
0x51: {  	s23 =	sadd.s32 $0x1, s23;
	[sflag:s20] =	ssyncadd.s32 $0xFFFFC000  }
0x52: {  	p0 =	sne.s32 s23, s5;
	_ =	swait.ge [sflag:s21], $0x4000  }
.Ltmp1:
0x53: {  	[sflag:s21] =	ssyncset.done $0x0;
	(pc) =	sbr.rel @p0 .LBB2_1-.Ltmp1, $4  }
0x54: {  	[sflag:s21] =	ssyncadd.s32 $0xFFFFC000  }
0x55: {  	_ =	swait.ge [sflag:s22], $0x4000  }
0x56: {  	[sflag:s22] =	ssyncset.done $0x0  }
0x57: {  	[sflag:s22] =	ssyncadd.s32 $0xFFFFC000  }
0x58: {  	_ =	sfence.sel $0x180000  }
0x59: {  	[bflag:$0x0] =	sbarrier.arrive $0xFFFF  }
0x5a: {  	_ =	strace $0x90000047  }
0x5b: {  	s0 =	stileid.u32;
	[bflag:$0x2] =	sbarrier.arrive $0xFFFF  }
0x5c: {  	p0 =	sne.s32 s0, $0x0;
	s0 =	rddreg [dreg:$0x3]  }
0x5d: {  	s0 =	sadd.s32 @!p0 $0x100000, s0  }
0x5e: {  	[sflag:s0] =	ssyncadd.tile.s32 @!p0 $0x1;
	_ =	shalt  }
.Lfunc_end2:
_tile_overlayer_lowered:
.L_overlay_start_2:
0x5f: {  	(tag) =	ssettag $0x2  }
0x60: {  	s0 =	rddreg [dreg:$0x0];
	s2 =	stileid.u32  }
0x61: {  	s1 =	rddreg [dreg:$0x1];
	p0 =	sne.s32 s2, $0x0  }
0x62: {  	s3 =	rddreg [dreg:$0x2];
	[bflag:$0x3] =	sbarrier.arrive $0xFFFF;
	s2 =	simm.s32 @!p0 $0x1C0D  }
0x63: {  	[timem:s3], [sflag:s2] =	dma.local @!p0 [hbm:s0], s1  }
0x64: {  	s0 =	simm.s32 @!p0 $0xD  }
0x65: {  	_ =	swait.ge @!p0 [sflag:s0], s1  }
0x66: {  	s1 =	ssub.s32 @!p0 $0x0, s1;
	[sflag:s0] =	ssyncset.done @!p0 $0x0  }
0x67: {  	[sflag:s0] =	ssyncadd.s32 @!p0 s1  }
0x68: {  	[bflag:$0x3] =	sbarrier.arrive $0xFFFF  }
0x69: {  	_ =	shalt  }

</sc_bundles>
